<compile_context>
chip_gen: v7x
topology: tpu7x:2x2x1
jax: 0.10.2.dev20260603
libtpu: 0.0.44.dev20260713+nightly
codegen_flags: <defaults>
</compile_context>

<pallas_src>
import functools

import jax
import jax.numpy as jnp
from jax import lax
from jax.experimental import pallas as pl
from jax.experimental.pallas import tpu as pltpu
from jax.experimental.pallas import tpu_sc as plsc

B, D, H, W = 4, 64, 64, 64
E = 32
DHW = D * H * W
N = B * DHW

NC, NS = 2, 16
NW = NC * NS
W_PER_B = NW // B
PER_W = DHW // W_PER_B
CHUNK = 512
N_CHUNKS = PER_W // CHUNK
OUT_W = 2 * CHUNK
PITCH = OUT_W + 1

_mesh = plsc.VectorSubcoreMesh(
    core_axis_name="c", subcore_axis_name="s", num_cores=NC, num_subcores=NS
)


@functools.partial(
    pl.kernel,
    out_type=jax.ShapeDtypeStruct((B, E, D, H * W), jnp.float32),
    mesh=_mesh,
    scratch_types=[
        pltpu.VMEM((PER_W,), jnp.int32),
        pltpu.VMEM((CHUNK, E), jnp.float32),
        pltpu.VMEM((CHUNK, E), jnp.float32),
        pltpu.VMEM((E, PITCH), jnp.float32),
        pltpu.SemaphoreType.DMA,
        pltpu.SemaphoreType.DMA,
        pltpu.SemaphoreType.DMA,
    ],
    compiler_params=pltpu.CompilerParams(
        use_tc_tiling_on_sc=False, needs_layout_passes=False
    ),
)
def _sc_fused(idx_hbm, table_hbm, out_hbm, idx_all, rows_v0, rows_v1,
              trans_v, sem0, sem1, osem):
    wid = lax.axis_index("s") * NC + lax.axis_index("c")
    bb = wid // W_PER_B
    off = (wid % W_PER_B) * PER_W

    e_lo = lax.iota(jnp.int32, 16)
    e_hi = e_lo + 16

    pltpu.sync_copy(idx_hbm.at[pl.ds(bb * DHW + off, PER_W)], idx_all)

    def start_gather(k, rows_v, sem):
        pltpu.async_copy(
            table_hbm.at[idx_all.at[pl.ds(k * CHUNK, CHUNK)]], rows_v, sem)

    def wait_gather(rows_v, sem):
        pltpu.make_async_copy(
            table_hbm.at[idx_all.at[pl.ds(0, CHUNK)]], rows_v, sem).wait()

    def transpose(rows_v, col0):
        @functools.partial(plsc.parallel_loop, 0, CHUNK, unroll=16)
        def _transpose(j):
            jv = jnp.full((16,), col0 + j, jnp.int32)
            r0 = rows_v[j, pl.ds(0, 16)]
            r1 = rows_v[j, pl.ds(16, 16)]
            plsc.store_scatter(trans_v, [e_lo, jv], r0)
            plsc.store_scatter(trans_v, [e_hi, jv], r1)

    start_gather(0, rows_v0, sem0)

    @pl.loop(0, N_CHUNKS, step=2)
    def _pipeline(i):
        start_gather(i + 1, rows_v1, sem1)
        wait_gather(rows_v0, sem0)

        @pl.when(i >= 2)
        def _():
            pltpu.make_async_copy(
                trans_v.at[:, pl.ds(0, OUT_W)],
                out_hbm.at[bb, :, 0, pl.ds(0, OUT_W)], osem).wait()

        transpose(rows_v0, 0)

        @pl.when(i + 2 < N_CHUNKS)
        def _():
            start_gather(i + 2, rows_v0, sem0)

        wait_gather(rows_v1, sem1)
        transpose(rows_v1, CHUNK)
        pos0 = off + i * CHUNK
        pltpu.async_copy(
            trans_v.at[:, pl.ds(0, OUT_W)],
            out_hbm.at[bb, :, pos0 // (H * W), pl.ds(pos0 % (H * W), OUT_W)],
            osem)

    pltpu.make_async_copy(
        trans_v.at[:, pl.ds(0, OUT_W)],
        out_hbm.at[bb, :, 0, pl.ds(0, OUT_W)], osem).wait()


def kernel(v, table):
    idx = v.reshape(N)
    out = _sc_fused(idx, table)
    return out.reshape(B, E, D, H, W)

# --- scband reference (transcript-rebuilt; emitter-appended) ---
"""Pipeline reference for scband-voxel-embedding-24885040513390 (READ-ONLY COPY).

The authoritative reference and input builder live on the scoring server;
editing this copy changes nothing except your own understanding.
"""

import jax, jax.numpy as jnp
import numpy as np

NUM_EMB = 100000
EMB_DIM = 32

def setup_inputs(seed: int = 0) -> dict:
    key = jax.random.key(seed)
    k1, k2 = jax.random.split(key)
    v = jax.random.randint(k1, (4, 64, 64, 64), 0, NUM_EMB, dtype=jnp.int32)
    table = jax.random.normal(k2, (NUM_EMB, EMB_DIM), dtype=jnp.float32)
    # padding_idx=0 -> row 0 is zeros
    table = table.at[0].set(0.0)
    return {"v": v, "table": table}

def reference(v, table):
    # nn.Embedding lookup: v [B, D, H, W] -> [B, D, H, W, E]
    emb = jnp.take(table, v, axis=0)
    # squeeze(1) is a no-op here (dim 1 = D = 64)
    # permute (0, 4, 1, 2, 3) -> [B, E, D, H, W]
    return jnp.transpose(emb, (0, 4, 1, 2, 3))

if __name__ == "__main__":
    import jax
    _d = setup_inputs()
    print(jax.jit(kernel)(*tuple(_d.values())))

</pallas_src>

<mosaic_0001>
#map = affine_map<(d0, d1) -> (0)>
#map1 = affine_map<(d0, d1) -> (0, 0)>
#map2 = affine_map<(d0, d1) -> (0, 0, 0, 0)>
module attributes {stable_mosaic.version = 14 : i64} {
  func.func @_sc_fused(%arg0: i32, %arg1: i32, %arg2: memref<1048576xi32, #tpu.memory_space<hbm>>, %arg3: memref<100000x32xf32, #tpu.memory_space<hbm>>, %arg4: memref<4x32x64x4096xf32, #tpu.memory_space<hbm>>, %arg5: memref<32768xi32, #tpu.memory_space<vmem>>, %arg6: memref<512x32xf32, #tpu.memory_space<vmem>>, %arg7: memref<512x32xf32, #tpu.memory_space<vmem>>, %arg8: memref<32x1025xf32, #tpu.memory_space<vmem>>, %arg9: memref<!tpu.dma_semaphore, #tpu.memory_space<semaphore_mem>>, %arg10: memref<!tpu.dma_semaphore, #tpu.memory_space<semaphore_mem>>, %arg11: memref<!tpu.dma_semaphore, #tpu.memory_space<semaphore_mem>>) attributes {dimension_semantics = [#tpu.dimension_semantics<core_parallel>, #tpu.dimension_semantics<subcore_parallel>], iteration_bounds = array<i64: 2, 16>, scalar_prefetch = 0 : i64, scratch_operands = 7 : i64, tpu.core_type = #tpu.core_type<sc_vector_subcore>, window_params = [{transform_indices = #map}, {transform_indices = #map1}, {transform_indices = #map2}]} {
    %mul3A = arith.constant 2 : i32
    %mul3A_0 = arith.muli %arg1, %mul3A : i32
    %add3A = arith.addi %mul3A_0, %arg0 : i32
    %jit3A = arith.constant 8 : i32
    %div3A = arith.divsi %add3A, %jit3A : i32
    %sign3A = arith.constant 0 : i32
    %sign3A_1 = arith.cmpi sgt, %add3A, %sign3A : i32
    %sign3A_2 = arith.extui %sign3A_1 : i1 to i32
    %sign3A_3 = arith.constant 0 : i32
    %sign3A_4 = arith.cmpi slt, %add3A, %sign3A_3 : i32
    %sign3A_5 = arith.extui %sign3A_4 : i1 to i32
    %sign3A_6 = arith.subi %sign3A_2, %sign3A_5 : i32
    %sign3A_7 = arith.constant 0 : i32
    %sign3A_8 = arith.cmpi sgt, %jit3A, %sign3A_7 : i32
    %sign3A_9 = arith.extui %sign3A_8 : i1 to i32
    %sign3A_10 = arith.constant 0 : i32
    %sign3A_11 = arith.cmpi slt, %jit3A, %sign3A_10 : i32
    %sign3A_12 = arith.extui %sign3A_11 : i1 to i32
    %sign3A_13 = arith.subi %sign3A_9, %sign3A_12 : i32
    %ne3A = arith.cmpi ne, %sign3A_6, %sign3A_13 : i32
    %rem3A = arith.remsi %add3A, %jit3A : i32
    %ne3A_14 = arith.constant 0 : i32
    %ne3A_15 = arith.cmpi ne, %rem3A, %ne3A_14 : i32
    %and3A = arith.andi %ne3A, %ne3A_15 : i1
    %sub3A = arith.constant 1 : i32
    %sub3A_16 = arith.subi %div3A, %sub3A : i32
    %select_n3A = arith.select %and3A, %sub3A_16, %div3A : i32
    %jit3A_17 = arith.constant 8 : i32
    %eq3A = arith.constant 0 : i32
    %eq3A_18 = arith.cmpi eq, %jit3A_17, %eq3A : i32
    %jit3A_19 = arith.constant 1 : i32
    %select_n3A_20 = arith.select %eq3A_18, %jit3A_19, %jit3A_17 : i32
    %rem3A_21 = arith.remsi %add3A, %select_n3A_20 : i32
    %ne3A_22 = arith.constant 0 : i32
    %ne3A_23 = arith.cmpi ne, %rem3A_21, %ne3A_22 : i32
    %lt3A = arith.constant 0 : i32
    %lt3A_24 = arith.cmpi slt, %rem3A_21, %lt3A : i32
    %lt3A_25 = arith.constant 0 : i32
    %lt3A_26 = arith.cmpi slt, %select_n3A_20, %lt3A_25 : i32
    %ne3A_27 = arith.xori %lt3A_24, %lt3A_26 : i1
    %and3A_28 = arith.andi %ne3A_27, %ne3A_23 : i1
    %add3A_29 = arith.addi %rem3A_21, %select_n3A_20 : i32
    %select_n3A_30 = arith.select %and3A_28, %add3A_29, %rem3A_21 : i32
    %mul3A_31 = arith.constant 32768 : i32
    %mul3A_32 = arith.muli %select_n3A_30, %mul3A_31 : i32
    %iota3A = tpu.iota {dimensions = array<i32: 0>} : vector<16xi32>
    %add3A_33 = arith.constant 16 : i32
    %add3A_34 = vector.broadcast %add3A_33 : i32 to vector<16xi32>
    %add3A_35 = arith.addi %iota3A, %add3A_34 : vector<16xi32>
    %mul3A_36 = arith.constant 262144 : i32
    %mul3A_37 = arith.muli %select_n3A, %mul3A_36 : i32
    %add3A_38 = arith.addi %mul3A_37, %mul3A_32 : i32
    "tpu.region"() ({
      %run_scoped3A = tpu.sem_alloc : memref<!tpu.dma_semaphore, #tpu.memory_space<semaphore_mem>>
      %dma_start3A_61 = tpu.memref_slice %arg2[%add3A_38] : memref<1048576xi32, #tpu.memory_space<hbm>> -> memref<32768xi32, #tpu.memory_space<hbm>>
      %dma_start3A_62 = tpu.memref_slice %arg2[%add3A_38] : memref<1048576xi32, #tpu.memory_space<hbm>> -> memref<32768xi32, #tpu.memory_space<hbm>>
      tpu.enqueue_dma source(%dma_start3A_62 : memref<32768xi32, #tpu.memory_space<hbm>>) target(%arg5 : memref<32768xi32, #tpu.memory_space<vmem>>) target_semaphore(%run_scoped3A : memref<!tpu.dma_semaphore, #tpu.memory_space<semaphore_mem>>)
      %dma_wait3A_63 = tpu.memref_slice %arg2[%add3A_38] : memref<1048576xi32, #tpu.memory_space<hbm>> -> memref<32768xi32, #tpu.memory_space<hbm>>
      %dma_wait3A_64 = tpu.memref_slice %arg2[%add3A_38] : memref<1048576xi32, #tpu.memory_space<hbm>> -> memref<32768xi32, #tpu.memory_space<hbm>>
      tpu.wait_dma2 semaphore(%run_scoped3A : memref<!tpu.dma_semaphore, #tpu.memory_space<semaphore_mem>>) src(%dma_wait3A_64 : memref<32768xi32, #tpu.memory_space<hbm>>) dst(%arg5 : memref<32768xi32, #tpu.memory_space<vmem>>)
      tpu.yield
    }) : () -> ()
    %dma_start3A = arith.constant 0 : i32
    %dma_start3A_39 = tpu.memref_slice %arg5[%dma_start3A] : memref<32768xi32, #tpu.memory_space<vmem>> -> memref<512xi32, #tpu.memory_space<vmem>>
    %dma_start3A_40 = arith.constant 0 : i32
    %dma_start3A_41 = arith.constant 0 : i32
    %dma_start3A_42 = tpu.memref_slice %arg3[%dma_start3A_40, %dma_start3A_41] : memref<100000x32xf32, #tpu.memory_space<hbm>> -> memref<100000x32xf32, #tpu.memory_space<hbm>>
    tpu.enqueue_indirect_dma source(%dma_start3A_42 : memref<100000x32xf32, #tpu.memory_space<hbm>>) target(%arg6 : memref<512x32xf32, #tpu.memory_space<vmem>>) offsets(%dma_start3A_39 : memref<512xi32, #tpu.memory_space<vmem>>) semaphore(%arg9 : memref<!tpu.dma_semaphore, #tpu.memory_space<semaphore_mem>>)
    %scan3A = arith.constant 0 : i32
    %scan3A_43 = arith.constant 32 : i32
    %scan3A_44 = arith.addi %scan3A, %scan3A_43 : i32
    %scan3A_45 = arith.constant 1 : i32
    scf.for %scan3A_61 = %scan3A to %scan3A_44 step %scan3A_45  : i32 {
      %mul3A_62 = arith.constant 2 : i32
      %mul3A_63 = arith.muli %scan3A_61, %mul3A_62 : i32
      %add3A_64 = arith.constant 0 : i32
      %add3A_65 = arith.addi %add3A_64, %mul3A_63 : i32
      %add3A_66 = arith.constant 1 : i32
      %add3A_67 = arith.addi %add3A_65, %add3A_66 : i32
      %mul3A_68 = arith.constant 512 : i32
      %mul3A_69 = arith.muli %add3A_67, %mul3A_68 : i32
      %dma_start3A_70 = tpu.memref_slice %arg5[%mul3A_69] : memref<32768xi32, #tpu.memory_space<vmem>> -> memref<512xi32, #tpu.memory_space<vmem>>
      %dma_start3A_71 = arith.constant 0 : i32
      %dma_start3A_72 = arith.constant 0 : i32
      %dma_start3A_73 = tpu.memref_slice %arg3[%dma_start3A_71, %dma_start3A_72] : memref<100000x32xf32, #tpu.memory_space<hbm>> -> memref<100000x32xf32, #tpu.memory_space<hbm>>
      tpu.enqueue_indirect_dma source(%dma_start3A_73 : memref<100000x32xf32, #tpu.memory_space<hbm>>) target(%arg7 : memref<512x32xf32, #tpu.memory_space<vmem>>) offsets(%dma_start3A_70 : memref<512xi32, #tpu.memory_space<vmem>>) semaphore(%arg10 : memref<!tpu.dma_semaphore, #tpu.memory_space<semaphore_mem>>)
      %dma_wait3A_74 = arith.constant 0 : i32
      %dma_wait3A_75 = tpu.memref_slice %arg5[%dma_wait3A_74] : memref<32768xi32, #tpu.memory_space<vmem>> -> memref<512xi32, #tpu.memory_space<vmem>>
      %dma_wait3A_76 = arith.constant 0 : i32
      %dma_wait3A_77 = arith.constant 0 : i32
      %dma_wait3A_78 = tpu.memref_slice %arg3[%dma_wait3A_76, %dma_wait3A_77] : memref<100000x32xf32, #tpu.memory_space<hbm>> -> memref<100000x32xf32, #tpu.memory_space<hbm>>
      tpu.wait_indirect_dma semaphore(%arg9 : memref<!tpu.dma_semaphore, #tpu.memory_space<semaphore_mem>>) src(%dma_wait3A_78 : memref<100000x32xf32, #tpu.memory_space<hbm>>) dst(%arg6 : memref<512x32xf32, #tpu.memory_space<vmem>>)
      %ge3A = arith.constant 2 : i32
      %ge3A_79 = arith.cmpi sge, %add3A_65, %ge3A : i32
      %convert_element_type3A = arith.extui %ge3A_79 : i1 to i32
      %cond3A = arith.constant 0 : i32
      %cond3A_80 = arith.cmpi ne, %convert_element_type3A, %cond3A : i32
      scf.if %cond3A_80 {
        %dma_wait3A_148 = arith.constant 0 : i32
        %dma_wait3A_149 = arith.constant 0 : i32
        %dma_wait3A_150 = arith.constant 0 : i32
        %dma_wait3A_151 = tpu.memref_slice %arg8[%dma_wait3A_149, %dma_wait3A_150] : memref<32x1025xf32, #tpu.memory_space<vmem>> -> memref<32x1024xf32, #tpu.memory_space<vmem>>
        %dma_wait3A_152 = arith.constant 0 : i32
        %dma_wait3A_153 = arith.constant 0 : i32
        %dma_wait3A_154 = tpu.memref_slice %arg4[%select_n3A, %dma_wait3A_152, %dma_wait3A_148, %dma_wait3A_153] : memref<4x32x64x4096xf32, #tpu.memory_space<hbm>> -> memref<1x32x1x1024xf32, #tpu.memory_space<hbm>>
        %dma_wait3A_155 = tpu.memref_squeeze %dma_wait3A_154 : memref<1x32x1x1024xf32, #tpu.memory_space<hbm>> -> memref<32x1024xf32, #tpu.memory_space<hbm>>
        %dma_wait3A_156 = arith.constant 0 : i32
        %dma_wait3A_157 = arith.constant 0 : i32
        %dma_wait3A_158 = tpu.memref_slice %arg4[%select_n3A, %dma_wait3A_156, %dma_wait3A_148, %dma_wait3A_157] : memref<4x32x64x4096xf32, #tpu.memory_space<hbm>> -> memref<1x32x1x1024xf32, #tpu.memory_space<hbm>>
        %dma_wait3A_159 = tpu.memref_squeeze %dma_wait3A_158 : memref<1x32x1x1024xf32, #tpu.memory_space<hbm>> -> memref<32x1024xf32, #tpu.memory_space<hbm>>
        %dma_wait3A_160 = arith.constant 0 : i32
        %dma_wait3A_161 = arith.constant 0 : i32
        %dma_wait3A_162 = tpu.memref_slice %arg8[%dma_wait3A_160, %dma_wait3A_161] : memref<32x1025xf32, #tpu.memory_space<vmem>> -> memref<32x1024xf32, #tpu.memory_space<vmem>>
        tpu.wait_dma2 semaphore(%arg11 : memref<!tpu.dma_semaphore, #tpu.memory_space<semaphore_mem>>) src(%dma_wait3A_162 : memref<32x1024xf32, #tpu.memory_space<vmem>>) dst(%dma_wait3A_159 : memref<32x1024xf32, #tpu.memory_space<hbm>>)
      } else {
      }
      %add3A_81 = arith.constant 2 : i32
      %add3A_82 = arith.addi %add3A_65, %add3A_81 : i32
      %lt3A_83 = arith.constant 64 : i32
      %lt3A_84 = arith.cmpi slt, %add3A_82, %lt3A_83 : i32
      %convert_element_type3A_85 = arith.extui %lt3A_84 : i1 to i32
      %cond3A_86 = arith.constant 0 : i32
      %cond3A_87 = arith.cmpi ne, %convert_element_type3A_85, %cond3A_86 : i32
      scf.if %cond3A_87 {
        %add3A_148 = arith.constant 2 : i32
        %add3A_149 = arith.addi %add3A_65, %add3A_148 : i32
        %mul3A_150 = arith.constant 512 : i32
        %mul3A_151 = arith.muli %add3A_149, %mul3A_150 : i32
        %dma_start3A_152 = tpu.memref_slice %arg5[%mul3A_151] : memref<32768xi32, #tpu.memory_space<vmem>> -> memref<512xi32, #tpu.memory_space<vmem>>
        %dma_start3A_153 = arith.constant 0 : i32
        %dma_start3A_154 = arith.constant 0 : i32
        %dma_start3A_155 = tpu.memref_slice %arg3[%dma_start3A_153, %dma_start3A_154] : memref<100000x32xf32, #tpu.memory_space<hbm>> -> memref<100000x32xf32, #tpu.memory_space<hbm>>
        tpu.enqueue_indirect_dma source(%dma_start3A_155 : memref<100000x32xf32, #tpu.memory_space<hbm>>) target(%arg6 : memref<512x32xf32, #tpu.memory_space<vmem>>) offsets(%dma_start3A_152 : memref<512xi32, #tpu.memory_space<vmem>>) semaphore(%arg9 : memref<!tpu.dma_semaphore, #tpu.memory_space<semaphore_mem>>)
      } else {
      }
      %dma_wait3A_88 = arith.constant 0 : i32
      %dma_wait3A_89 = tpu.memref_slice %arg5[%dma_wait3A_88] : memref<32768xi32, #tpu.memory_space<vmem>> -> memref<512xi32, #tpu.memory_space<vmem>>
      %dma_wait3A_90 = arith.constant 0 : i32
      %dma_wait3A_91 = arith.constant 0 : i32
      %dma_wait3A_92 = tpu.memref_slice %arg3[%dma_wait3A_90, %dma_wait3A_91] : memref<100000x32xf32, #tpu.memory_space<hbm>> -> memref<100000x32xf32, #tpu.memory_space<hbm>>
      tpu.wait_indirect_dma semaphore(%arg10 : memref<!tpu.dma_semaphore, #tpu.memory_space<semaphore_mem>>) src(%dma_wait3A_92 : memref<100000x32xf32, #tpu.memory_space<hbm>>) dst(%arg7 : memref<512x32xf32, #tpu.memory_space<vmem>>)
      %mul3A_93 = arith.constant 512 : i32
      %mul3A_94 = arith.muli %add3A_65, %mul3A_93 : i32
      %add3A_95 = arith.addi %mul3A_32, %mul3A_94 : i32
      %jit3A_96 = arith.constant 4096 : i32
      %div3A_97 = arith.divsi %add3A_95, %jit3A_96 : i32
      %sign3A_98 = arith.constant 0 : i32
      %sign3A_99 = arith.cmpi sgt, %add3A_95, %sign3A_98 : i32
      %sign3A_100 = arith.extui %sign3A_99 : i1 to i32
      %sign3A_101 = arith.constant 0 : i32
      %sign3A_102 = arith.cmpi slt, %add3A_95, %sign3A_101 : i32
      %sign3A_103 = arith.extui %sign3A_102 : i1 to i32
      %sign3A_104 = arith.subi %sign3A_100, %sign3A_103 : i32
      %sign3A_105 = arith.constant 0 : i32
      %sign3A_106 = arith.cmpi sgt, %jit3A_96, %sign3A_105 : i32
      %sign3A_107 = arith.extui %sign3A_106 : i1 to i32
      %sign3A_108 = arith.constant 0 : i32
      %sign3A_109 = arith.cmpi slt, %jit3A_96, %sign3A_108 : i32
      %sign3A_110 = arith.extui %sign3A_109 : i1 to i32
      %sign3A_111 = arith.subi %sign3A_107, %sign3A_110 : i32
      %ne3A_112 = arith.cmpi ne, %sign3A_104, %sign3A_111 : i32
      %rem3A_113 = arith.remsi %add3A_95, %jit3A_96 : i32
      %ne3A_114 = arith.constant 0 : i32
      %ne3A_115 = arith.cmpi ne, %rem3A_113, %ne3A_114 : i32
      %and3A_116 = arith.andi %ne3A_112, %ne3A_115 : i1
      %sub3A_117 = arith.constant 1 : i32
      %sub3A_118 = arith.subi %div3A_97, %sub3A_117 : i32
      %select_n3A_119 = arith.select %and3A_116, %sub3A_118, %div3A_97 : i32
      %jit3A_120 = arith.constant 4096 : i32
      %eq3A_121 = arith.constant 0 : i32
      %eq3A_122 = arith.cmpi eq, %jit3A_120, %eq3A_121 : i32
      %jit3A_123 = arith.constant 1 : i32
      %select_n3A_124 = arith.select %eq3A_122, %jit3A_123, %jit3A_120 : i32
      %rem3A_125 = arith.remsi %add3A_95, %select_n3A_124 : i32
      %ne3A_126 = arith.constant 0 : i32
      %ne3A_127 = arith.cmpi ne, %rem3A_125, %ne3A_126 : i32
      %lt3A_128 = arith.constant 0 : i32
      %lt3A_129 = arith.cmpi slt, %rem3A_125, %lt3A_128 : i32
      %lt3A_130 = arith.constant 0 : i32
      %lt3A_131 = arith.cmpi slt, %select_n3A_124, %lt3A_130 : i32
      %ne3A_132 = arith.xori %lt3A_129, %lt3A_131 : i1
      %and3A_133 = arith.andi %ne3A_132, %ne3A_127 : i1
      %add3A_134 = arith.addi %rem3A_125, %select_n3A_124 : i32
      %select_n3A_135 = arith.select %and3A_133, %add3A_134, %rem3A_125 : i32
      %dma_start3A_136 = arith.constant 0 : i32
      %dma_start3A_137 = arith.constant 0 : i32
      %dma_start3A_138 = tpu.memref_slice %arg8[%dma_start3A_136, %dma_start3A_137] : memref<32x1025xf32, #tpu.memory_space<vmem>> -> memref<32x1024xf32, #tpu.memory_space<vmem>>
      %dma_start3A_139 = arith.constant 0 : i32
      %dma_start3A_140 = tpu.memref_slice %arg4[%select_n3A, %dma_start3A_139, %select_n3A_119, %select_n3A_135] : memref<4x32x64x4096xf32, #tpu.memory_space<hbm>> -> memref<1x32x1x1024xf32, #tpu.memory_space<hbm>>
      %dma_start3A_141 = tpu.memref_squeeze %dma_start3A_140 : memref<1x32x1x1024xf32, #tpu.memory_space<hbm>> -> memref<32x1024xf32, #tpu.memory_space<hbm>>
      %dma_start3A_142 = arith.constant 0 : i32
      %dma_start3A_143 = tpu.memref_slice %arg4[%select_n3A, %dma_start3A_142, %select_n3A_119, %select_n3A_135] : memref<4x32x64x4096xf32, #tpu.memory_space<hbm>> -> memref<1x32x1x1024xf32, #tpu.memory_space<hbm>>
      %dma_start3A_144 = tpu.memref_squeeze %dma_start3A_143 : memref<1x32x1x1024xf32, #tpu.memory_space<hbm>> -> memref<32x1024xf32, #tpu.memory_space<hbm>>
      %dma_start3A_145 = arith.constant 0 : i32
      %dma_start3A_146 = arith.constant 0 : i32
      %dma_start3A_147 = tpu.memref_slice %arg8[%dma_start3A_145, %dma_start3A_146] : memref<32x1025xf32, #tpu.memory_space<vmem>> -> memref<32x1024xf32, #tpu.memory_space<vmem>>
      tpu.enqueue_dma source(%dma_start3A_147 : memref<32x1024xf32, #tpu.memory_space<vmem>>) target(%dma_start3A_144 : memref<32x1024xf32, #tpu.memory_space<hbm>>) target_semaphore(%arg11 : memref<!tpu.dma_semaphore, #tpu.memory_space<semaphore_mem>>)
    }
    %scan3A_46 = arith.constant 32 : i32
    %dma_wait3A = arith.constant 0 : i32
    %dma_wait3A_47 = arith.constant 0 : i32
    %dma_wait3A_48 = arith.constant 0 : i32
    %dma_wait3A_49 = tpu.memref_slice %arg8[%dma_wait3A_47, %dma_wait3A_48] : memref<32x1025xf32, #tpu.memory_space<vmem>> -> memref<32x1024xf32, #tpu.memory_space<vmem>>
    %dma_wait3A_50 = arith.constant 0 : i32
    %dma_wait3A_51 = arith.constant 0 : i32
    %dma_wait3A_52 = tpu.memref_slice %arg4[%select_n3A, %dma_wait3A_50, %dma_wait3A, %dma_wait3A_51] : memref<4x32x64x4096xf32, #tpu.memory_space<hbm>> -> memref<1x32x1x1024xf32, #tpu.memory_space<hbm>>
    %dma_wait3A_53 = tpu.memref_squeeze %dma_wait3A_52 : memref<1x32x1x1024xf32, #tpu.memory_space<hbm>> -> memref<32x1024xf32, #tpu.memory_space<hbm>>
    %dma_wait3A_54 = arith.constant 0 : i32
    %dma_wait3A_55 = arith.constant 0 : i32
    %dma_wait3A_56 = tpu.memref_slice %arg4[%select_n3A, %dma_wait3A_54, %dma_wait3A, %dma_wait3A_55] : memref<4x32x64x4096xf32, #tpu.memory_space<hbm>> -> memref<1x32x1x1024xf32, #tpu.memory_space<hbm>>
    %dma_wait3A_57 = tpu.memref_squeeze %dma_wait3A_56 : memref<1x32x1x1024xf32, #tpu.memory_space<hbm>> -> memref<32x1024xf32, #tpu.memory_space<hbm>>
    %dma_wait3A_58 = arith.constant 0 : i32
    %dma_wait3A_59 = arith.constant 0 : i32
    %dma_wait3A_60 = tpu.memref_slice %arg8[%dma_wait3A_58, %dma_wait3A_59] : memref<32x1025xf32, #tpu.memory_space<vmem>> -> memref<32x1024xf32, #tpu.memory_space<vmem>>
    tpu.wait_dma2 semaphore(%arg11 : memref<!tpu.dma_semaphore, #tpu.memory_space<semaphore_mem>>) src(%dma_wait3A_60 : memref<32x1024xf32, #tpu.memory_space<vmem>>) dst(%dma_wait3A_57 : memref<32x1024xf32, #tpu.memory_space<hbm>>)
    return
  }
}

</mosaic_0001>

<sc_bundles>
// kernel: kernel.3.cloned.1.call-start
scs
__scs_entry_jumppad:
0x0: {  	(pc) =	sbr.rel $0x88, $3  }
0x1: {  	(tag) =	ssettag $0x0;
	lr =	simm.s32 $0x1  }
0x2: {  	[smem:$0x3F9F] =	sst lr;
	_ =	strace $0xD0000000  }
0x3: {  	_ = 	snop  }
0x4: {  	_ = 	snop  }
0x5: {  	_ = 	snop  }
0x6: {  	_ = 	snop  }
0x7: {  	_ = 	snop  }
__scs_overlays_trampoline_lowered:
0x8: {  	[smem:$0x3FAE] =	sst s0  }
0x9: {  	[smem:$0x3FAF] =	sst s1  }
0xa: {  	[smem:$0x3FB0] =	sst s2  }
0xb: {  	[smem:$0x3FB1] =	sst s3  }
0xc: {  	[smem:$0x3FB2] =	sst s4  }
0xd: {  	[smem:$0x3FB3] =	sst s5  }
0xe: {  	[smem:$0x3FB4] =	sst s6  }
0xf: {  	[smem:$0x3FB5] =	sst s7  }
0x10: {  	[smem:$0x3FB6] =	sst s8  }
0x11: {  	[smem:$0x3FB7] =	sst s9;
	s0 =	simm.s32 @!p0 $0x0  }
0x12: {  	s1 =	sld [smem:$0x3F9D];
	s0 =	simm.s32 @p0 $0x1  }
0x13: {  	[smem:$0x3FB8] =	sst s0;
	s0 =	simm.s32 @!p1 $0x0  }
0x14: {  	s2 =	sld [smem:$0x3F9C];
	s0 =	simm.s32 @p1 $0x1  }
0x15: {  	[smem:$0x3FB9] =	sst s0;
	s0 =	simm.s32 @!p2 $0x0  }
0x16: {  	s3 =	sld [smem:$0x3FDB];
	s0 =	simm.s32 @p2 $0x1  }
0x17: {  	s4 =	simm.s32 $0x1BF5;
	[smem:$0x3FBB] =	sst s0  }
0x18: {  	s0 =	sld [smem:$0x3F9E];
	_ =	swait.ge [sflag:s4], $0x0  }
0x19: {  	s7 =	sld [smem:$0x3F9F]  }
0x1a: {  	s8 =	sadd.s32 $0xFFFFE003, lr  }
0x1b: {  	s9 =	sadd.s32 $0xFFFFFEF7, lr;
	s5 =	simm.s32 $0xFFFFFFFF;
	p2 =	slt.u32 s8, $0xFFFFF086  }
0x1c: {  	p1 =	slt.u32 s9, $0xF7A;
	s5 =	simm.s32 @!p2 $0x0  }
0x1d: {  	s5 =	simm.s32 @p1 $0x1;
	p0 =	seq.s32 s7, s2  }
0x1e: {  	s7 =	smul.u32 @!p0 $0xF7A, s2;
	p2 =	seq.s32 @!p0 s5, $0x0  }
0x1f: {  	s9 =	smul.u32 $0xF7A, s1;
	s8 =	simm.s32 @!p0 $0x1BF5;
	p2 =	por !p2, p0  }
0x20: {  	[sflag:s8] =	ssyncset.s32 @!p0 $0xFFFFF086;
	s6 =	sadd.s32 @!p0 s3, s7;
	s7 =	simm.s32 @!p0 $0x108  }
0x21: {  	s3 =	sadd.s32 s3, s9;
	s6 =	sadd.s32 @!p0 $0x88, s6;
	s7 =	simm.s32 @p2 $0x1082  }
0x22: {  	[simem:s7], [sflag:s8] =	dma.local @!p0 [hbm:s6], $0xF7A  }
0x23: {  	s9 =	sor.u32 $0xD0000000, s2;
	s6 =	simm.s32 $0x108;
	_ =	swait.ge @!p0 [sflag:s8], $0x0  }
0x24: {  	s3 =	sadd.s32 $0x88, s3;
	s6 =	simm.s32 @!p1 $0x1082;
	[sflag:s4] =	ssyncset.s32 $0xFFFFF086  }
0x25: {  	[simem:s6], [sflag:s4] =	dma.local [hbm:s3], $0xF7A  }
0x26: {  	[smem:$0x3F9F] =	sst s1;
	(tag) =	ssettag s2;
	_ =	strace s9  }
0x27: {  	s1 =	sld [smem:$0x3FAF]  }
0x28: {  	s2 =	sld [smem:$0x3FB0]  }
0x29: {  	s4 =	sld [smem:$0x3FB2]  }
0x2a: {  	p0 =	seq.s32 s5, $0x0;
	s5 =	sld [smem:$0x3FB3]  }
0x2b: {  	s6 =	sld [smem:$0x3FB4]  }
0x2c: {  	s7 =	sld [smem:$0x3FB5]  }
0x2d: {  	s3 =	simm.s32 $0x108;
	s8 =	sld [smem:$0x3FB6]  }
0x2e: {  	s3 =	simm.s32 @!p0 $0x1082;
	s9 =	sld [smem:$0x3FB7]  }
0x2f: {  	lr =	sadd.s32 s0, s3;
	s0 =	sld [smem:$0x3FAE]  }
0x30: {  	s3 =	sld [smem:$0x3FB1]  }
0x31: {  	[smem:$0x3FBA] =	sst s10  }
0x32: {  	s10 =	sld [smem:$0x3FB8];
	_ =	sdelay $0x3  }
0x33: {  	p0 =	seq.s32 s10, $0x1;
	s10 =	sld [smem:$0x3FBA];
	_ =	sdelay $0x3  }
0x34: {  	[smem:$0x3FBA] =	sst s10  }
0x35: {  	s10 =	sld [smem:$0x3FB9];
	_ =	sdelay $0x3  }
0x36: {  	p1 =	seq.s32 s10, $0x1;
	s10 =	sld [smem:$0x3FBA];
	_ =	sdelay $0x3  }
0x37: {  	[smem:$0x3FBA] =	sst s10  }
0x38: {  	s10 =	sld [smem:$0x3FBB]  }
0x39: {  	_ = 	snop;
	(pc) =	sbr.ind lr, $3  }
0x3a: {  	_ = 	snop  }
0x3b: {  	_ = 	snop  }
0x3c: {  	p2 =	seq.s32 s10, $0x1;
	s10 =	sld [smem:$0x3FBA]  }
0x3d: {  	_ =	shalt  }
0x3e: {  	_ =	shalt  }
0x3f: {  	_ =	shalt  }
0x40: {  	_ =	shalt  }
0x41: {  	_ =	shalt  }
0x42: {  	_ =	shalt  }
0x43: {  	_ =	shalt  }
0x44: {  	_ =	shalt  }
0x45: {  	_ =	shalt  }
0x46: {  	_ =	shalt  }
0x47: {  	_ =	shalt  }
0x48: {  	_ =	shalt  }
0x49: {  	_ =	shalt  }
0x4a: {  	_ =	shalt  }
0x4b: {  	_ =	shalt  }
0x4c: {  	_ =	shalt  }
0x4d: {  	_ =	shalt  }
0x4e: {  	_ =	shalt  }
0x4f: {  	_ =	shalt  }
0x50: {  	_ =	shalt  }
0x51: {  	_ =	shalt  }
0x52: {  	_ =	shalt  }
0x53: {  	_ =	shalt  }
0x54: {  	_ =	shalt  }
0x55: {  	_ =	shalt  }
0x56: {  	_ =	shalt  }
0x57: {  	_ =	shalt  }
0x58: {  	_ =	shalt  }
0x59: {  	_ =	shalt  }
0x5a: {  	_ =	shalt  }
0x5b: {  	_ =	shalt  }
0x5c: {  	_ =	shalt  }
0x5d: {  	_ =	shalt  }
0x5e: {  	_ =	shalt  }
0x5f: {  	_ =	shalt  }
0x60: {  	_ =	shalt  }
0x61: {  	_ =	shalt  }
0x62: {  	_ =	shalt  }
0x63: {  	_ =	shalt  }
0x64: {  	_ =	shalt  }
0x65: {  	_ =	shalt  }
0x66: {  	_ =	shalt  }
0x67: {  	_ =	shalt  }
0x68: {  	_ =	shalt  }
0x69: {  	_ =	shalt  }
0x6a: {  	_ =	shalt  }
0x6b: {  	_ =	shalt  }
0x6c: {  	_ =	shalt  }
0x6d: {  	_ =	shalt  }
0x6e: {  	_ =	shalt  }
0x6f: {  	_ =	shalt  }
0x70: {  	_ =	shalt  }
0x71: {  	_ =	shalt  }
0x72: {  	_ =	shalt  }
0x73: {  	_ =	shalt  }
0x74: {  	_ =	shalt  }
0x75: {  	_ =	shalt  }
0x76: {  	_ =	shalt  }
0x77: {  	_ =	shalt  }
0x78: {  	_ =	shalt  }
0x79: {  	_ =	shalt  }
0x7a: {  	_ =	shalt  }
0x7b: {  	_ =	shalt  }
0x7c: {  	_ =	shalt  }
0x7d: {  	_ =	shalt  }
0x7e: {  	_ =	shalt  }
0x7f: {  	_ =	shalt  }
0x80: {  	_ =	shalt  }
0x81: {  	_ =	shalt  }
0x82: {  	_ =	shalt  }
0x83: {  	_ =	shalt  }
0x84: {  	_ =	shalt  }
0x85: {  	_ =	shalt  }
0x86: {  	_ =	shalt  }
0x87: {  	_ =	shalt  }
.Lfunc_end0:
.L_simem_size_0:
called_computation_lowered:
.L_overlay_start_0:
0x88: {  	s2 =	sld [smem:$0x3FD9]  }
0x89: {  	s3 =	sld [smem:$0x3FFE];
	_ =	sdelay $0x1  }
0x8a: {  	s1 =	srdreg.scid  }
0x8b: {  	s0 =	sand.u32 $0x1, s1  }
0x8c: {  	s16 =	sshll.u32 s0, $0xA;
	s2 =	sadd.s32 s3, s2  }
0x8d: {  	s2 =	sadd.s32 s2, s16  }
0x8e: {  	[smem:$0x3FC6] =	sst s2  }
0x8f: {  	_ = 	snop  }
0x90: {  	(tm) =	ssettm $0x1  }
0x91: {  	s17 =	sld [smem:$0x3FFB];
	_ =	sdelay $0x3  }
0x92: {  	_ =	strace s17  }
0x93: {  	s2 =	sld [smem:$0x3FFC];
	_ =	sdelay $0x3  }
0x94: {  	_ =	strace s2  }
0x95: {  	s2 =	sld [smem:$0x3FFD];
	_ =	sdelay $0x3  }
0x96: {  	_ =	strace s2  }
0x97: {  	_ =	strace $0x8FFFFFFF  }
0x98: {  	s18 =	sld [smem:$0x3FDB];
	_ =	sdelay $0x1  }
0x99: {  	s19 =	simm.s32 $_scs_section_size  }
0x9a: {  	s4 =	simm.s32 $_size__tile_overlayer_lowered;
	s5 =	simm.s32 $_tile_overlayer_lowered  }
0x9b: {  	s22 =	simm.s32 $0x1BFF;
	s21 =	sshll.u32 s5, $0x1;
	s2 =	sadd.s32 s19, s18  }
0x9c: {  	s6 =	simm.s32 $0x0;
	s20 =	sshll.u32 s4, $0x1;
	s4 =	sadd.s32 s21, s2  }
0x9d: {  	[timem:s6], [sflag:s22] =	dma.local [hbm:s4], s20  }
0x9e: {  	_ =	swait.ge [sflag:s22], s20  }
0x9f: {  	s3 =	ssub.s32 $0x0, s20;
	[sflag:s22] =	ssyncset.done $0x0  }
0xa0: {  	[sflag:s22] =	ssyncadd.s32 s3;
	_ =	sdelay $0x1  }
0xa1: {  	s23 =	simm.s32 $0x1B8B  }
0xa2: {  	_ =	swait.ge [sflag:s23], $0x1  }
0xa3: {  	[sflag:s23] =	ssyncset.done $0x0  }
0xa4: {  	s25 =	simm.s32 $0x1B8E;
	s24 =	sld [smem:$0x3FFE];
	[sflag:s23] =	ssyncadd.s32 $0xFFFFFFFF  }
0xa5: {  	s26 =	simm.s32 $execute0_lowered;
	[smem:$0x3FD2] =	sst s25  }
0xa6: {  	s4 =	sshll.u32 s26, $0x1;
	_ =	strace $0x80000046;
	[dreg:$0x1] =	wrdreg $0xFFFFFFFF  }
0xa7: {  	s28 =	simm.s32 $_size_execute0_lowered;
	s2 =	sadd.s32 s2, s4;
	[dreg:$0x0] =	wrdreg $0x0  }
0xa8: {  	s4 =	sshll.u32 s28, $0x1;
	[dreg:$0x2] =	wrdreg s2  }
0xa9: {  	[dreg:$0x3] =	wrdreg s4  }
0xaa: {  	[dreg:$0x4] =	wrdreg $0xC0  }
0xab: {  	_ =	task [dreg:s6], $0x5FFFF  }
0xac: {  	[dreg:$0x1] =	wrdreg $0xFFFFFFFF  }
0xad: {  	[dreg:$0x0] =	wrdreg $0x60  }
0xae: {  	[dreg:$0x2] =	wrdreg s24  }
0xaf: {  	[dreg:$0x3] =	wrdreg $0x9  }
0xb0: {  	_ =	task.clear_ibuf [dreg:s6], $0x4FFFF;
	_ =	strace $0x90000046  }
0xb1: {  	s29 =	simm.s32 $0x9;
	_ =	strace $0x80000048  }
0xb2: {  	_ =	swait.ge [sflag:s29], $0x1  }
0xb3: {  	[sflag:s29] =	ssyncadd.s32 $0xFFFFFFFF  }
0xb4: {  	_ =	strace $0x90000048  }
0xb5: {  	_ =	sfence  }
0xb6: {  	s30 =	sld [smem:$0x0];
	_ =	sdelay $0x2  }
0xb7: {  	s31 =	sshll.u32 s1, $0xD;
	s1 =	sshrl.u32 s1, $0x2  }
0xb8: {  	s3 =	sand.u32 $0x4000, s31;
	s1 =	sadd.s32 s1, s30  }
0xb9: {  	s0 =	sor.u32 s3, s0;
	s1 =	sshll.u32 s1, $0x11  }
0xba: {  	s0 =	sor.u32 s1, s0  }
0xbb: {  	s0 =	sadd.s32 $0x8F2B, s0  }
0xbc: {  	[sflag:s0] =	ssyncadd.remote.s32 $0x1  }
0xbd: {  	_ =	sfence.sel $0xFFFF  }
0xbe: {  	[dreg:$0x0] =	wrdreg $0xFFFFFFFF;
	(pc) =	sbr.abs _section_cstart, $3  }
0xbf: {  	[dreg:$0x1] =	wrdreg $0xFFFFFFFF  }
0xc0: {  	_ =	task.clear_ibuf [dreg:s6], $0x2FFFF;
	_ =	strace $0x9FFFFFFF  }
0xc1: {  	(tm) =	ssettm $0x7FFFFFFF  }
tec
execute0_lowered:
.L_overlay_start_1:
0x0: {  	(tag) =	ssettag $0x1  }
0x1: {  	s0 =	stileid.u32  }
0x2: {  	s1 =	srdreg.scid;
	s5 =	rddreg [dreg:$0x0]  }
0x3: {  	s3 =	simm.s32 $0x0;
	s10 =	simm.s32 $0x200;
	s11 =	simm.s32 $0x8000  }
0x4: {  	s12 =	simm.s32 $0xC000;
	s13 =	simm.s32 $0x1;
	s14 =	simm.s32 $0x2  }
0x5: {  	s15 =	simm.s32 $0x3;
	s16 =	simm.s32 $0x0;
	s2 =	sshll.u32 s0, $0x1  }
0x6: {  	s4 =	sand.u32 $0x1, s1;
	s7 =	sshrl.u32 s0, $0x2;
	s31 =	sand.u32 $0x6, s2  }
0x7: {  	[smem:$0x7FF] =	sst s3;
	s6 =	sshll.u32 s7, $0x12;
	s1 =	sor.u32 s4, s31  }
0x8: {  	s8 =	ssub.s32 $0x2, s4;
	s7 =	sshll.u32 s7, $0x17;
	s2 =	sshll.u32 s1, $0xF  }
0x9: {  	s4 =	sadd.s32 $0x20400, s5;
	s9 =	sshrl.u32 s8, $0x1;
	s6 =	sor.u32 s6, s2  }
0xa: {  	s1 =	rddreg [dreg:$0x1];
	_ =	strace $0x80000047;
	s6 =	sshrl.u32 s6, $0x3  }
0xb: {  	s8 =	ssub.s32 s8, s9;
	s9 =	simm.s32 $0x4;
	s6 =	sadd.s32 s6, s5  }
0xc: {  	s8 =	smax.u32 s8, $0x1;
	s5 =	sadd.s32 $0x82000, s5;
	s6 =	sadd.s32 $0x400, s6  }
.LBB2_1:
0xd: {  	[tilespmem:s3], [sflag:$0x4] =	stream.linear.gather [hbm4b:s6+s3], $0x8000, $0x38;
	[tilespmem:$0x18100] =	vst v63  }
0xe: {  	_ =	swait.ge [sflag:s9], $0x8000  }
0xf: {  	[sflag:s9] =	ssyncset.done $0x0  }
0x10: {  	s17 =	simm.s32 $0x0;
	[sflag:s9] =	ssyncadd.s32 $0xFFFF8000  }
0x11: {  	[tilespmem:s11], [sflag:$0x1] =	stream.indirect.gather [hbm4b:s4+s10], $0x20, s3, s10, $0xb8;
	[tilespmem:$0x18100] =	vst v63  }
.LBB2_2:
0x12: {  	s18 =	sshll.u32 s17, $0xA  }
0x13: {  	s19 =	sand.u32 $0x3FFFFC00, s18  }
0x14: {  	s20 =	sor.u32 $0x200, s19  }
0x15: {  	[tilespmem:s12], [sflag:$0x2] =	stream.indirect.gather [hbm4b:s4+s10], $0x20, s20, s10, $0xb8;
	[tilespmem:$0x18100] =	vst v63  }
0x16: {  	p0 =	seq.s32 s17, $0x0;
	_ =	swait.ge [sflag:s13], $0x4000  }
0x17: {  	p1 =	seq.s32 @!p0 s17, $0x1F;
	[sflag:s13] =	ssyncset.done $0x0  }
0x18: {  	s30 =	sor.u32 s2, s18;
	s20 =	simm.s32 @!p0 $0x3;
	[sflag:s13] =	ssyncadd.s32 $0xFFFFC000  }
0x19: {  	s18 =	sand.u32 $0xC00, s18;
	p1 =	por p0, !p1;
	_ =	swait.ge @!p0 [sflag:s20], $0x8000  }
0x1a: {  	p5 =	seq.s32 s30, $0x0;
	p6 =	sne.s32 s18, $0x0;
	[sflag:s20] =	ssyncset.done @!p0 $0x0  }
0x1b: {  	s19 =	sadd.s32 @p1 $0x400, s19;
	[sflag:s20] =	ssyncadd.s32 @!p0 $0xFFFF8000;
	p0 =	por !p5, !p6  }
0x1c: {  	[tilespmem:s11], [sflag:$0x1] =	stream.indirect.gather @p1 [hbm4b:s4+s10], $0x20, s19, s10, $0xb8;
	[tilespmem:$0x18100] =	vst v63  }
0x1d: {  	s20 =	simm.s32 $0xFFFFFFFF;
	p0 =	por !p0, !p0  }
0x1e: {  	s20 =	simm.s32 @!p0 $0x0  }
0x1f: {  	s20 =	sshll.u32 s20, $0xC  }
0x20: {  	s19 =	sadd.s32 s30, s20  }
0x21: {  	s19 =	sand.u32 $0xFFFFF000, s19  }
0x22: {  	s19 =	sadd.s32 s7, s19  }
0x23: {  	_ =	swait.ge [sflag:s14], $0x4000;
	s18 =	sor.u32 s18, s19  }
0x24: {  	s31 =	simm.s32 $0x10000;
	[sflag:s14] =	ssyncset.done $0x0;
	s18 =	sshrl.u32 s18, $0x3  }
0x25: {  	[sflag:s14] =	ssyncadd.s32 $0xFFFFC000;
	s19 =	simm.s32 $0x1020;
	s18 =	sadd.s32 s5, s18  }
0x26: {  	[hbm4b:s18+s3] =	stream.linear.scatter [tilespmem:s31], [sflag:$0x3], $0x400, $0x38;
	[tilespmem:$0x18100] =	vst v63  }
.LBB2_3:
0x27: {  	p0 =	sne.s32 s19, $0x1F3E0  }
.Ltmp0:
0x28: {  	_ = 	snop;
	(pc) =	sbr.rel @p0 .LBB2_3-.Ltmp0, $4  }
0x29: {  	_ = 	snop  }
0x2a: {  	s20 =	sshra.s32 s19, $0x2;
	s19 =	sadd.s32 $0x1020, s19  }
0x2b: {  	s18 =	sadd.s32 $0x8000, s18;
	s20 =	sadd.s32 $0x10000, s20  }
0x2c: {  	[hbm4b:s18+s3] =	stream.linear.scatter [tilespmem:s20], [sflag:$0x3], $0x400, $0x38;
	[tilespmem:$0x18100] =	vst v63  }
0x2d: {  	s17 =	sadd.s32 $0x1, s17  }
0x2e: {  	p0 =	sne.s32 s17, $0x20  }
.Ltmp1:
0x2f: {  	_ = 	snop;
	(pc) =	sbr.rel @p0 .LBB2_2-.Ltmp1, $1  }
0x30: {  	_ =	sdelay $0x3  }
0x31: {  	s16 =	sadd.s32 $0x1, s16  }
0x32: {  	p0 =	sne.s32 s16, s8  }
.Ltmp2:
0x33: {  	_ = 	snop;
	(pc) =	sbr.rel @p0 .LBB2_1-.Ltmp2, $4  }
0x34: {  	_ = 	snop  }
0x35: {  	_ =	swait.ge [sflag:s15], $0x8000  }
0x36: {  	[sflag:s15] =	ssyncset.done $0x0  }
0x37: {  	[sflag:s15] =	ssyncadd.s32 $0xFFFF8000  }
0x38: {  	_ =	sfence.sel $0x180000  }
0x39: {  	[bflag:$0x0] =	sbarrier.arrive $0xFFFF  }
0x3a: {  	p0 =	sne.s32 s0, $0x0;
	_ =	strace $0x90000047  }
0x3b: {  	s0 =	sadd.s32 @!p0 $0x100000, s1;
	[bflag:$0x2] =	sbarrier.arrive $0xFFFF  }
0x3c: {  	[sflag:s0] =	ssyncadd.tile.s32 @!p0 $0x1;
	_ =	shalt  }
.Lfunc_end2:
_tile_overlayer_lowered:
.L_overlay_start_2:
0x3d: {  	(tag) =	ssettag $0x2  }
0x3e: {  	s0 =	rddreg [dreg:$0x0];
	s2 =	stileid.u32  }
0x3f: {  	s1 =	rddreg [dreg:$0x1];
	p0 =	sne.s32 s2, $0x0  }
0x40: {  	s3 =	rddreg [dreg:$0x2];
	[bflag:$0x3] =	sbarrier.arrive $0xFFFF;
	s2 =	simm.s32 @!p0 $0x1C04  }
0x41: {  	[timem:s3], [sflag:s2] =	dma.local @!p0 [hbm:s0], s1  }
0x42: {  	s0 =	simm.s32 @!p0 $0x4  }
0x43: {  	_ =	swait.ge @!p0 [sflag:s0], s1  }
0x44: {  	s1 =	ssub.s32 @!p0 $0x0, s1;
	[sflag:s0] =	ssyncset.done @!p0 $0x0  }
0x45: {  	[sflag:s0] =	ssyncadd.s32 @!p0 s1  }
0x46: {  	[bflag:$0x3] =	sbarrier.arrive $0xFFFF  }
0x47: {  	_ =	shalt  }

</sc_bundles>
